<compile_context>
chip_gen: v7x
topology: tpu7x:2x2x1
jax: 0.10.2.dev20260603
libtpu: 0.0.44.dev20260713+nightly
codegen_flags: <defaults>
</compile_context>

<pallas_src>
import functools

import jax
import jax.numpy as jnp
from jax import lax
from jax.experimental import pallas as pl
from jax.experimental.pallas import tpu as pltpu
from jax.experimental.pallas import tpu_sc as plsc

B, F, D = 4096, 100, 128
NC, NS = 2, 16
NW = NC * NS
NRG = 16
RPW = B // NRG
FPW = F // 2
G = 16

_mesh = plsc.VectorSubcoreMesh(core_axis_name="c", subcore_axis_name="s")


@functools.partial(
    pl.kernel,
    mesh=_mesh,
    out_type=jax.ShapeDtypeStruct((F, B, D), jnp.float32),
    scratch_types=(
        [pltpu.VMEM_SHARED((NS, 3, RPW, D), jnp.float32)]
        + [pltpu.SemaphoreType.DMA for _ in range(6)]
    ),
)
def _rev_copy(x_hbm, out_hbm, shared, *sems):
    rsem = sems[0:3]
    wsem = sems[3:6]
    sid = lax.axis_index("s")
    wid = sid * NC + lax.axis_index("c")
    r0 = (wid % NRG) * RPW
    fpar = wid // NRG

    def start_read(k, j):
        f = fpar + 2 * j
        pltpu.async_copy(x_hbm.at[F - 1 - f].at[pl.ds(r0, RPW)],
                         shared.at[sid, k], rsem[k])

    def wait_read(k):
        pltpu.make_async_copy(x_hbm.at[0].at[pl.ds(r0, RPW)],
                              shared.at[sid, k], rsem[k]).wait()

    def start_write(k, j):
        f = fpar + 2 * j
        pltpu.async_copy(shared.at[sid, k], out_hbm.at[f].at[pl.ds(r0, RPW)],
                         wsem[k])

    def wait_write(k):
        pltpu.make_async_copy(shared.at[sid, k],
                              out_hbm.at[0].at[pl.ds(r0, RPW)],
                              wsem[k]).wait()

    start_read(0, 0)
    start_read(1, 1)

    def body(g, carry):
        j0 = 3 * g
        wait_read(0)

        @pl.when(g > 0)
        def _wb():
            wait_write(2)

        start_write(0, j0)
        start_read(2, j0 + 2)

        wait_read(1)
        wait_write(0)
        start_write(1, j0 + 1)
        start_read(0, j0 + 3)

        wait_read(2)
        wait_write(1)
        start_write(2, j0 + 2)
        start_read(1, j0 + 4)

        return carry

    lax.fori_loop(0, G, body, 0)
    wait_read(0)
    wait_write(2)
    start_write(0, FPW - 2)
    wait_read(1)
    wait_write(0)
    start_write(1, FPW - 1)
    wait_write(1)


def kernel(x):
    out_t = _rev_copy(x.transpose(1, 0, 2))
    return out_t.transpose(1, 0, 2)

# --- scband reference (transcript-rebuilt; emitter-appended) ---
"""Pipeline reference for scband-order-layer-66932770340963 (READ-ONLY COPY).

The authoritative reference and input builder live on the scoring server;
editing this copy changes nothing except your own understanding.
"""

import jax, jax.numpy as jnp
import numpy as np

# Fixed reorder permutation (reverse order of the 100 fields), matching init kwarg `order`
ORDER = jnp.arange(99, -1, -1, dtype=jnp.int32)


def setup_inputs(seed: int = 0) -> dict:
    key = jax.random.key(seed)
    x = jax.random.normal(key, (4096, 100, 128), dtype=jnp.float32)
    return {"x": x}


def reference(x) -> jnp.ndarray:
    # Faithful translation of tf.gather(x, self.order, axis=1)
    y = jnp.take(x, ORDER, axis=1)
    return y

if __name__ == "__main__":
    import jax
    _d = setup_inputs()
    print(jax.jit(kernel)(*tuple(_d.values())))

</pallas_src>

<mosaic_0001>
#map = affine_map<(d0, d1) -> (0, 0, 0)>
module attributes {stable_mosaic.version = 14 : i64} {
  func.func @_rev_copy(%arg0: i32, %arg1: i32, %arg2: memref<100x4096x128xf32, #tpu.memory_space<hbm>>, %arg3: memref<100x4096x128xf32, #tpu.memory_space<hbm>>, %arg4: memref<16x3x256x128xf32, #tpu.memory_space<vmem_shared>>, %arg5: memref<!tpu.dma_semaphore, #tpu.memory_space<semaphore_mem>>, %arg6: memref<!tpu.dma_semaphore, #tpu.memory_space<semaphore_mem>>, %arg7: memref<!tpu.dma_semaphore, #tpu.memory_space<semaphore_mem>>, %arg8: memref<!tpu.dma_semaphore, #tpu.memory_space<semaphore_mem>>, %arg9: memref<!tpu.dma_semaphore, #tpu.memory_space<semaphore_mem>>, %arg10: memref<!tpu.dma_semaphore, #tpu.memory_space<semaphore_mem>>) attributes {dimension_semantics = [#tpu.dimension_semantics<core_parallel>, #tpu.dimension_semantics<subcore_parallel>], iteration_bounds = array<i64: 2, 16>, scalar_prefetch = 0 : i64, scratch_operands = 7 : i64, tpu.core_type = #tpu.core_type<sc_vector_subcore>, window_params = [{transform_indices = #map}, {transform_indices = #map}]} {
    %mul3A = arith.constant 2 : i32
    %mul3A_0 = arith.muli %arg1, %mul3A : i32
    %add3A = arith.addi %mul3A_0, %arg0 : i32
    %jit3A = arith.constant 16 : i32
    %eq3A = arith.constant 0 : i32
    %eq3A_1 = arith.cmpi eq, %jit3A, %eq3A : i32
    %jit3A_2 = arith.constant 1 : i32
    %select_n3A = arith.select %eq3A_1, %jit3A_2, %jit3A : i32
    %rem3A = arith.remsi %add3A, %select_n3A : i32
    %ne3A = arith.constant 0 : i32
    %ne3A_3 = arith.cmpi ne, %rem3A, %ne3A : i32
    %lt3A = arith.constant 0 : i32
    %lt3A_4 = arith.cmpi slt, %rem3A, %lt3A : i32
    %lt3A_5 = arith.constant 0 : i32
    %lt3A_6 = arith.cmpi slt, %select_n3A, %lt3A_5 : i32
    %ne3A_7 = arith.xori %lt3A_4, %lt3A_6 : i1
    %and3A = arith.andi %ne3A_7, %ne3A_3 : i1
    %add3A_8 = arith.addi %rem3A, %select_n3A : i32
    %select_n3A_9 = arith.select %and3A, %add3A_8, %rem3A : i32
    %mul3A_10 = arith.constant 256 : i32
    %mul3A_11 = arith.muli %select_n3A_9, %mul3A_10 : i32
    %jit3A_12 = arith.constant 16 : i32
    %div3A = arith.divsi %add3A, %jit3A_12 : i32
    %sign3A = arith.constant 0 : i32
    %sign3A_13 = arith.cmpi sgt, %add3A, %sign3A : i32
    %sign3A_14 = arith.extui %sign3A_13 : i1 to i32
    %sign3A_15 = arith.constant 0 : i32
    %sign3A_16 = arith.cmpi slt, %add3A, %sign3A_15 : i32
    %sign3A_17 = arith.extui %sign3A_16 : i1 to i32
    %sign3A_18 = arith.subi %sign3A_14, %sign3A_17 : i32
    %sign3A_19 = arith.constant 0 : i32
    %sign3A_20 = arith.cmpi sgt, %jit3A_12, %sign3A_19 : i32
    %sign3A_21 = arith.extui %sign3A_20 : i1 to i32
    %sign3A_22 = arith.constant 0 : i32
    %sign3A_23 = arith.cmpi slt, %jit3A_12, %sign3A_22 : i32
    %sign3A_24 = arith.extui %sign3A_23 : i1 to i32
    %sign3A_25 = arith.subi %sign3A_21, %sign3A_24 : i32
    %ne3A_26 = arith.cmpi ne, %sign3A_18, %sign3A_25 : i32
    %rem3A_27 = arith.remsi %add3A, %jit3A_12 : i32
    %ne3A_28 = arith.constant 0 : i32
    %ne3A_29 = arith.cmpi ne, %rem3A_27, %ne3A_28 : i32
    %and3A_30 = arith.andi %ne3A_26, %ne3A_29 : i1
    %sub3A = arith.constant 1 : i32
    %sub3A_31 = arith.subi %div3A, %sub3A : i32
    %select_n3A_32 = arith.select %and3A_30, %sub3A_31, %div3A : i32
    %add3A_33 = arith.constant 0 : i32
    %add3A_34 = arith.addi %select_n3A_32, %add3A_33 : i32
    %sub3A_35 = arith.constant 99 : i32
    %sub3A_36 = arith.subi %sub3A_35, %add3A_34 : i32
    %dma_start3A = arith.constant 0 : i32
    %dma_start3A_37 = arith.constant 0 : i32
    %dma_start3A_38 = arith.constant 0 : i32
    %dma_start3A_39 = tpu.memref_slice %arg4[%arg1, %dma_start3A, %dma_start3A_37, %dma_start3A_38] : memref<16x3x256x128xf32, #tpu.memory_space<vmem_shared>> -> memref<1x1x256x128xf32, #tpu.memory_space<vmem_shared>>
    %dma_start3A_40 = tpu.memref_squeeze %dma_start3A_39 : memref<1x1x256x128xf32, #tpu.memory_space<vmem_shared>> -> memref<256x128xf32, #tpu.memory_space<vmem_shared>>
    %dma_start3A_41 = arith.constant 0 : i32
    %dma_start3A_42 = arith.constant 0 : i32
    %dma_start3A_43 = tpu.memref_slice %arg2[%sub3A_36, %dma_start3A_41, %dma_start3A_42] : memref<100x4096x128xf32, #tpu.memory_space<hbm>> -> memref<1x4096x128xf32, #tpu.memory_space<hbm>>
    %dma_start3A_44 = tpu.memref_squeeze %dma_start3A_43 : memref<1x4096x128xf32, #tpu.memory_space<hbm>> -> memref<4096x128xf32, #tpu.memory_space<hbm>>
    %dma_start3A_45 = arith.constant 0 : i32
    %dma_start3A_46 = tpu.memref_slice %dma_start3A_44[%mul3A_11, %dma_start3A_45] : memref<4096x128xf32, #tpu.memory_space<hbm>> -> memref<256x128xf32, #tpu.memory_space<hbm>>
    tpu.enqueue_dma source(%dma_start3A_46 : memref<256x128xf32, #tpu.memory_space<hbm>>) target(%dma_start3A_40 : memref<256x128xf32, #tpu.memory_space<vmem_shared>>) target_semaphore(%arg5 : memref<!tpu.dma_semaphore, #tpu.memory_space<semaphore_mem>>)
    %add3A_47 = arith.constant 2 : i32
    %add3A_48 = arith.addi %select_n3A_32, %add3A_47 : i32
    %sub3A_49 = arith.constant 99 : i32
    %sub3A_50 = arith.subi %sub3A_49, %add3A_48 : i32
    %dma_start3A_51 = arith.constant 1 : i32
    %dma_start3A_52 = arith.constant 0 : i32
    %dma_start3A_53 = arith.constant 0 : i32
    %dma_start3A_54 = tpu.memref_slice %arg4[%arg1, %dma_start3A_51, %dma_start3A_52, %dma_start3A_53] : memref<16x3x256x128xf32, #tpu.memory_space<vmem_shared>> -> memref<1x1x256x128xf32, #tpu.memory_space<vmem_shared>>
    %dma_start3A_55 = tpu.memref_squeeze %dma_start3A_54 : memref<1x1x256x128xf32, #tpu.memory_space<vmem_shared>> -> memref<256x128xf32, #tpu.memory_space<vmem_shared>>
    %dma_start3A_56 = arith.constant 0 : i32
    %dma_start3A_57 = arith.constant 0 : i32
    %dma_start3A_58 = tpu.memref_slice %arg2[%sub3A_50, %dma_start3A_56, %dma_start3A_57] : memref<100x4096x128xf32, #tpu.memory_space<hbm>> -> memref<1x4096x128xf32, #tpu.memory_space<hbm>>
    %dma_start3A_59 = tpu.memref_squeeze %dma_start3A_58 : memref<1x4096x128xf32, #tpu.memory_space<hbm>> -> memref<4096x128xf32, #tpu.memory_space<hbm>>
    %dma_start3A_60 = arith.constant 0 : i32
    %dma_start3A_61 = tpu.memref_slice %dma_start3A_59[%mul3A_11, %dma_start3A_60] : memref<4096x128xf32, #tpu.memory_space<hbm>> -> memref<256x128xf32, #tpu.memory_space<hbm>>
    tpu.enqueue_dma source(%dma_start3A_61 : memref<256x128xf32, #tpu.memory_space<hbm>>) target(%dma_start3A_55 : memref<256x128xf32, #tpu.memory_space<vmem_shared>>) target_semaphore(%arg6 : memref<!tpu.dma_semaphore, #tpu.memory_space<semaphore_mem>>)
    %scan3A = arith.constant 0 : i32
    %scan3A_62 = arith.constant 0 : i32
    %scan3A_63 = arith.constant 16 : i32
    %scan3A_64 = arith.addi %scan3A_62, %scan3A_63 : i32
    %scan3A_65 = arith.constant 1 : i32
    scf.for %scan3A_152 = %scan3A_62 to %scan3A_64 step %scan3A_65  : i32 {
      %mul3A_153 = arith.constant 3 : i32
      %mul3A_154 = arith.muli %mul3A_153, %scan3A_152 : i32
      %dma_wait3A_155 = arith.constant 0 : i32
      %dma_wait3A_156 = arith.constant 0 : i32
      %dma_wait3A_157 = arith.constant 0 : i32
      %dma_wait3A_158 = arith.constant 0 : i32
      %dma_wait3A_159 = tpu.memref_slice %arg4[%arg1, %dma_wait3A_156, %dma_wait3A_157, %dma_wait3A_158] : memref<16x3x256x128xf32, #tpu.memory_space<vmem_shared>> -> memref<1x1x256x128xf32, #tpu.memory_space<vmem_shared>>
      %dma_wait3A_160 = tpu.memref_squeeze %dma_wait3A_159 : memref<1x1x256x128xf32, #tpu.memory_space<vmem_shared>> -> memref<256x128xf32, #tpu.memory_space<vmem_shared>>
      %dma_wait3A_161 = arith.constant 0 : i32
      %dma_wait3A_162 = arith.constant 0 : i32
      %dma_wait3A_163 = tpu.memref_slice %arg2[%dma_wait3A_155, %dma_wait3A_161, %dma_wait3A_162] : memref<100x4096x128xf32, #tpu.memory_space<hbm>> -> memref<1x4096x128xf32, #tpu.memory_space<hbm>>
      %dma_wait3A_164 = tpu.memref_squeeze %dma_wait3A_163 : memref<1x4096x128xf32, #tpu.memory_space<hbm>> -> memref<4096x128xf32, #tpu.memory_space<hbm>>
      %dma_wait3A_165 = arith.constant 0 : i32
      %dma_wait3A_166 = tpu.memref_slice %dma_wait3A_164[%mul3A_11, %dma_wait3A_165] : memref<4096x128xf32, #tpu.memory_space<hbm>> -> memref<256x128xf32, #tpu.memory_space<hbm>>
      tpu.wait_dma2 semaphore(%arg5 : memref<!tpu.dma_semaphore, #tpu.memory_space<semaphore_mem>>) src(%dma_wait3A_166 : memref<256x128xf32, #tpu.memory_space<hbm>>) dst(%dma_wait3A_160 : memref<256x128xf32, #tpu.memory_space<vmem_shared>>)
      %gt3A = arith.constant 0 : i32
      %gt3A_167 = arith.cmpi sgt, %scan3A_152, %gt3A : i32
      %convert_element_type3A = arith.extui %gt3A_167 : i1 to i32
      %cond3A = arith.constant 0 : i32
      %cond3A_168 = arith.cmpi ne, %convert_element_type3A, %cond3A : i32
      scf.if %cond3A_168 {
        %dma_wait3A_317 = arith.constant 2 : i32
        %dma_wait3A_318 = arith.constant 0 : i32
        %dma_wait3A_319 = arith.constant 0 : i32
        %dma_wait3A_320 = arith.constant 0 : i32
        %dma_wait3A_321 = tpu.memref_slice %arg3[%dma_wait3A_318, %dma_wait3A_319, %dma_wait3A_320] : memref<100x4096x128xf32, #tpu.memory_space<hbm>> -> memref<1x4096x128xf32, #tpu.memory_space<hbm>>
        %dma_wait3A_322 = tpu.memref_squeeze %dma_wait3A_321 : memref<1x4096x128xf32, #tpu.memory_space<hbm>> -> memref<4096x128xf32, #tpu.memory_space<hbm>>
        %dma_wait3A_323 = arith.constant 0 : i32
        %dma_wait3A_324 = tpu.memref_slice %dma_wait3A_322[%mul3A_11, %dma_wait3A_323] : memref<4096x128xf32, #tpu.memory_space<hbm>> -> memref<256x128xf32, #tpu.memory_space<hbm>>
        %dma_wait3A_325 = arith.constant 0 : i32
        %dma_wait3A_326 = arith.constant 0 : i32
        %dma_wait3A_327 = tpu.memref_slice %arg4[%arg1, %dma_wait3A_317, %dma_wait3A_325, %dma_wait3A_326] : memref<16x3x256x128xf32, #tpu.memory_space<vmem_shared>> -> memref<1x1x256x128xf32, #tpu.memory_space<vmem_shared>>
        %dma_wait3A_328 = tpu.memref_squeeze %dma_wait3A_327 : memref<1x1x256x128xf32, #tpu.memory_space<vmem_shared>> -> memref<256x128xf32, #tpu.memory_space<vmem_shared>>
        tpu.wait_dma2 semaphore(%arg10 : memref<!tpu.dma_semaphore, #tpu.memory_space<semaphore_mem>>) src(%dma_wait3A_328 : memref<256x128xf32, #tpu.memory_space<vmem_shared>>) dst(%dma_wait3A_324 : memref<256x128xf32, #tpu.memory_space<hbm>>)
      } else {
      }
      %mul3A_169 = arith.constant 2 : i32
      %mul3A_170 = arith.muli %mul3A_169, %mul3A_154 : i32
      %add3A_171 = arith.addi %select_n3A_32, %mul3A_170 : i32
      %dma_start3A_172 = arith.constant 0 : i32
      %dma_start3A_173 = arith.constant 0 : i32
      %dma_start3A_174 = arith.constant 0 : i32
      %dma_start3A_175 = tpu.memref_slice %arg3[%add3A_171, %dma_start3A_173, %dma_start3A_174] : memref<100x4096x128xf32, #tpu.memory_space<hbm>> -> memref<1x4096x128xf32, #tpu.memory_space<hbm>>
      %dma_start3A_176 = tpu.memref_squeeze %dma_start3A_175 : memref<1x4096x128xf32, #tpu.memory_space<hbm>> -> memref<4096x128xf32, #tpu.memory_space<hbm>>
      %dma_start3A_177 = arith.constant 0 : i32
      %dma_start3A_178 = tpu.memref_slice %dma_start3A_176[%mul3A_11, %dma_start3A_177] : memref<4096x128xf32, #tpu.memory_space<hbm>> -> memref<256x128xf32, #tpu.memory_space<hbm>>
      %dma_start3A_179 = arith.constant 0 : i32
      %dma_start3A_180 = arith.constant 0 : i32
      %dma_start3A_181 = tpu.memref_slice %arg4[%arg1, %dma_start3A_172, %dma_start3A_179, %dma_start3A_180] : memref<16x3x256x128xf32, #tpu.memory_space<vmem_shared>> -> memref<1x1x256x128xf32, #tpu.memory_space<vmem_shared>>
      %dma_start3A_182 = tpu.memref_squeeze %dma_start3A_181 : memref<1x1x256x128xf32, #tpu.memory_space<vmem_shared>> -> memref<256x128xf32, #tpu.memory_space<vmem_shared>>
      tpu.enqueue_dma source(%dma_start3A_182 : memref<256x128xf32, #tpu.memory_space<vmem_shared>>) target(%dma_start3A_178 : memref<256x128xf32, #tpu.memory_space<hbm>>) target_semaphore(%arg8 : memref<!tpu.dma_semaphore, #tpu.memory_space<semaphore_mem>>)
      %add3A_183 = arith.constant 2 : i32
      %add3A_184 = arith.addi %mul3A_154, %add3A_183 : i32
      %mul3A_185 = arith.constant 2 : i32
      %mul3A_186 = arith.muli %mul3A_185, %add3A_184 : i32
      %add3A_187 = arith.addi %select_n3A_32, %mul3A_186 : i32
      %sub3A_188 = arith.constant 99 : i32
      %sub3A_189 = arith.subi %sub3A_188, %add3A_187 : i32
      %dma_start3A_190 = arith.constant 2 : i32
      %dma_start3A_191 = arith.constant 0 : i32
      %dma_start3A_192 = arith.constant 0 : i32
      %dma_start3A_193 = tpu.memref_slice %arg4[%arg1, %dma_start3A_190, %dma_start3A_191, %dma_start3A_192] : memref<16x3x256x128xf32, #tpu.memory_space<vmem_shared>> -> memref<1x1x256x128xf32, #tpu.memory_space<vmem_shared>>
      %dma_start3A_194 = tpu.memref_squeeze %dma_start3A_193 : memref<1x1x256x128xf32, #tpu.memory_space<vmem_shared>> -> memref<256x128xf32, #tpu.memory_space<vmem_shared>>
      %dma_start3A_195 = arith.constant 0 : i32
      %dma_start3A_196 = arith.constant 0 : i32
      %dma_start3A_197 = tpu.memref_slice %arg2[%sub3A_189, %dma_start3A_195, %dma_start3A_196] : memref<100x4096x128xf32, #tpu.memory_space<hbm>> -> memref<1x4096x128xf32, #tpu.memory_space<hbm>>
      %dma_start3A_198 = tpu.memref_squeeze %dma_start3A_197 : memref<1x4096x128xf32, #tpu.memory_space<hbm>> -> memref<4096x128xf32, #tpu.memory_space<hbm>>
      %dma_start3A_199 = arith.constant 0 : i32
      %dma_start3A_200 = tpu.memref_slice %dma_start3A_198[%mul3A_11, %dma_start3A_199] : memref<4096x128xf32, #tpu.memory_space<hbm>> -> memref<256x128xf32, #tpu.memory_space<hbm>>
      tpu.enqueue_dma source(%dma_start3A_200 : memref<256x128xf32, #tpu.memory_space<hbm>>) target(%dma_start3A_194 : memref<256x128xf32, #tpu.memory_space<vmem_shared>>) target_semaphore(%arg7 : memref<!tpu.dma_semaphore, #tpu.memory_space<semaphore_mem>>)
      %dma_wait3A_201 = arith.constant 0 : i32
      %dma_wait3A_202 = arith.constant 1 : i32
      %dma_wait3A_203 = arith.constant 0 : i32
      %dma_wait3A_204 = arith.constant 0 : i32
      %dma_wait3A_205 = tpu.memref_slice %arg4[%arg1, %dma_wait3A_202, %dma_wait3A_203, %dma_wait3A_204] : memref<16x3x256x128xf32, #tpu.memory_space<vmem_shared>> -> memref<1x1x256x128xf32, #tpu.memory_space<vmem_shared>>
      %dma_wait3A_206 = tpu.memref_squeeze %dma_wait3A_205 : memref<1x1x256x128xf32, #tpu.memory_space<vmem_shared>> -> memref<256x128xf32, #tpu.memory_space<vmem_shared>>
      %dma_wait3A_207 = arith.constant 0 : i32
      %dma_wait3A_208 = arith.constant 0 : i32
      %dma_wait3A_209 = tpu.memref_slice %arg2[%dma_wait3A_201, %dma_wait3A_207, %dma_wait3A_208] : memref<100x4096x128xf32, #tpu.memory_space<hbm>> -> memref<1x4096x128xf32, #tpu.memory_space<hbm>>
      %dma_wait3A_210 = tpu.memref_squeeze %dma_wait3A_209 : memref<1x4096x128xf32, #tpu.memory_space<hbm>> -> memref<4096x128xf32, #tpu.memory_space<hbm>>
      %dma_wait3A_211 = arith.constant 0 : i32
      %dma_wait3A_212 = tpu.memref_slice %dma_wait3A_210[%mul3A_11, %dma_wait3A_211] : memref<4096x128xf32, #tpu.memory_space<hbm>> -> memref<256x128xf32, #tpu.memory_space<hbm>>
      tpu.wait_dma2 semaphore(%arg6 : memref<!tpu.dma_semaphore, #tpu.memory_space<semaphore_mem>>) src(%dma_wait3A_212 : memref<256x128xf32, #tpu.memory_space<hbm>>) dst(%dma_wait3A_206 : memref<256x128xf32, #tpu.memory_space<vmem_shared>>)
      %dma_wait3A_213 = arith.constant 0 : i32
      %dma_wait3A_214 = arith.constant 0 : i32
      %dma_wait3A_215 = arith.constant 0 : i32
      %dma_wait3A_216 = arith.constant 0 : i32
      %dma_wait3A_217 = tpu.memref_slice %arg3[%dma_wait3A_214, %dma_wait3A_215, %dma_wait3A_216] : memref<100x4096x128xf32, #tpu.memory_space<hbm>> -> memref<1x4096x128xf32, #tpu.memory_space<hbm>>
      %dma_wait3A_218 = tpu.memref_squeeze %dma_wait3A_217 : memref<1x4096x128xf32, #tpu.memory_space<hbm>> -> memref<4096x128xf32, #tpu.memory_space<hbm>>
      %dma_wait3A_219 = arith.constant 0 : i32
      %dma_wait3A_220 = tpu.memref_slice %dma_wait3A_218[%mul3A_11, %dma_wait3A_219] : memref<4096x128xf32, #tpu.memory_space<hbm>> -> memref<256x128xf32, #tpu.memory_space<hbm>>
      %dma_wait3A_221 = arith.constant 0 : i32
      %dma_wait3A_222 = arith.constant 0 : i32
      %dma_wait3A_223 = tpu.memref_slice %arg4[%arg1, %dma_wait3A_213, %dma_wait3A_221, %dma_wait3A_222] : memref<16x3x256x128xf32, #tpu.memory_space<vmem_shared>> -> memref<1x1x256x128xf32, #tpu.memory_space<vmem_shared>>
      %dma_wait3A_224 = tpu.memref_squeeze %dma_wait3A_223 : memref<1x1x256x128xf32, #tpu.memory_space<vmem_shared>> -> memref<256x128xf32, #tpu.memory_space<vmem_shared>>
      tpu.wait_dma2 semaphore(%arg8 : memref<!tpu.dma_semaphore, #tpu.memory_space<semaphore_mem>>) src(%dma_wait3A_224 : memref<256x128xf32, #tpu.memory_space<vmem_shared>>) dst(%dma_wait3A_220 : memref<256x128xf32, #tpu.memory_space<hbm>>)
      %add3A_225 = arith.constant 1 : i32
      %add3A_226 = arith.addi %mul3A_154, %add3A_225 : i32
      %mul3A_227 = arith.constant 2 : i32
      %mul3A_228 = arith.muli %mul3A_227, %add3A_226 : i32
      %add3A_229 = arith.addi %select_n3A_32, %mul3A_228 : i32
      %dma_start3A_230 = arith.constant 1 : i32
      %dma_start3A_231 = arith.constant 0 : i32
      %dma_start3A_232 = arith.constant 0 : i32
      %dma_start3A_233 = tpu.memref_slice %arg3[%add3A_229, %dma_start3A_231, %dma_start3A_232] : memref<100x4096x128xf32, #tpu.memory_space<hbm>> -> memref<1x4096x128xf32, #tpu.memory_space<hbm>>
      %dma_start3A_234 = tpu.memref_squeeze %dma_start3A_233 : memref<1x4096x128xf32, #tpu.memory_space<hbm>> -> memref<4096x128xf32, #tpu.memory_space<hbm>>
      %dma_start3A_235 = arith.constant 0 : i32
      %dma_start3A_236 = tpu.memref_slice %dma_start3A_234[%mul3A_11, %dma_start3A_235] : memref<4096x128xf32, #tpu.memory_space<hbm>> -> memref<256x128xf32, #tpu.memory_space<hbm>>
      %dma_start3A_237 = arith.constant 0 : i32
      %dma_start3A_238 = arith.constant 0 : i32
      %dma_start3A_239 = tpu.memref_slice %arg4[%arg1, %dma_start3A_230, %dma_start3A_237, %dma_start3A_238] : memref<16x3x256x128xf32, #tpu.memory_space<vmem_shared>> -> memref<1x1x256x128xf32, #tpu.memory_space<vmem_shared>>
      %dma_start3A_240 = tpu.memref_squeeze %dma_start3A_239 : memref<1x1x256x128xf32, #tpu.memory_space<vmem_shared>> -> memref<256x128xf32, #tpu.memory_space<vmem_shared>>
      tpu.enqueue_dma source(%dma_start3A_240 : memref<256x128xf32, #tpu.memory_space<vmem_shared>>) target(%dma_start3A_236 : memref<256x128xf32, #tpu.memory_space<hbm>>) target_semaphore(%arg9 : memref<!tpu.dma_semaphore, #tpu.memory_space<semaphore_mem>>)
      %add3A_241 = arith.constant 3 : i32
      %add3A_242 = arith.addi %mul3A_154, %add3A_241 : i32
      %mul3A_243 = arith.constant 2 : i32
      %mul3A_244 = arith.muli %mul3A_243, %add3A_242 : i32
      %add3A_245 = arith.addi %select_n3A_32, %mul3A_244 : i32
      %sub3A_246 = arith.constant 99 : i32
      %sub3A_247 = arith.subi %sub3A_246, %add3A_245 : i32
      %dma_start3A_248 = arith.constant 0 : i32
      %dma_start3A_249 = arith.constant 0 : i32
      %dma_start3A_250 = arith.constant 0 : i32
      %dma_start3A_251 = tpu.memref_slice %arg4[%arg1, %dma_start3A_248, %dma_start3A_249, %dma_start3A_250] : memref<16x3x256x128xf32, #tpu.memory_space<vmem_shared>> -> memref<1x1x256x128xf32, #tpu.memory_space<vmem_shared>>
      %dma_start3A_252 = tpu.memref_squeeze %dma_start3A_251 : memref<1x1x256x128xf32, #tpu.memory_space<vmem_shared>> -> memref<256x128xf32, #tpu.memory_space<vmem_shared>>
      %dma_start3A_253 = arith.constant 0 : i32
      %dma_start3A_254 = arith.constant 0 : i32
      %dma_start3A_255 = tpu.memref_slice %arg2[%sub3A_247, %dma_start3A_253, %dma_start3A_254] : memref<100x4096x128xf32, #tpu.memory_space<hbm>> -> memref<1x4096x128xf32, #tpu.memory_space<hbm>>
      %dma_start3A_256 = tpu.memref_squeeze %dma_start3A_255 : memref<1x4096x128xf32, #tpu.memory_space<hbm>> -> memref<4096x128xf32, #tpu.memory_space<hbm>>
      %dma_start3A_257 = arith.constant 0 : i32
      %dma_start3A_258 = tpu.memref_slice %dma_start3A_256[%mul3A_11, %dma_start3A_257] : memref<4096x128xf32, #tpu.memory_space<hbm>> -> memref<256x128xf32, #tpu.memory_space<hbm>>
      tpu.enqueue_dma source(%dma_start3A_258 : memref<256x128xf32, #tpu.memory_space<hbm>>) target(%dma_start3A_252 : memref<256x128xf32, #tpu.memory_space<vmem_shared>>) target_semaphore(%arg5 : memref<!tpu.dma_semaphore, #tpu.memory_space<semaphore_mem>>)
      %dma_wait3A_259 = arith.constant 0 : i32
      %dma_wait3A_260 = arith.constant 2 : i32
      %dma_wait3A_261 = arith.constant 0 : i32
      %dma_wait3A_262 = arith.constant 0 : i32
      %dma_wait3A_263 = tpu.memref_slice %arg4[%arg1, %dma_wait3A_260, %dma_wait3A_261, %dma_wait3A_262] : memref<16x3x256x128xf32, #tpu.memory_space<vmem_shared>> -> memref<1x1x256x128xf32, #tpu.memory_space<vmem_shared>>
      %dma_wait3A_264 = tpu.memref_squeeze %dma_wait3A_263 : memref<1x1x256x128xf32, #tpu.memory_space<vmem_shared>> -> memref<256x128xf32, #tpu.memory_space<vmem_shared>>
      %dma_wait3A_265 = arith.constant 0 : i32
      %dma_wait3A_266 = arith.constant 0 : i32
      %dma_wait3A_267 = tpu.memref_slice %arg2[%dma_wait3A_259, %dma_wait3A_265, %dma_wait3A_266] : memref<100x4096x128xf32, #tpu.memory_space<hbm>> -> memref<1x4096x128xf32, #tpu.memory_space<hbm>>
      %dma_wait3A_268 = tpu.memref_squeeze %dma_wait3A_267 : memref<1x4096x128xf32, #tpu.memory_space<hbm>> -> memref<4096x128xf32, #tpu.memory_space<hbm>>
      %dma_wait3A_269 = arith.constant 0 : i32
      %dma_wait3A_270 = tpu.memref_slice %dma_wait3A_268[%mul3A_11, %dma_wait3A_269] : memref<4096x128xf32, #tpu.memory_space<hbm>> -> memref<256x128xf32, #tpu.memory_space<hbm>>
      tpu.wait_dma2 semaphore(%arg7 : memref<!tpu.dma_semaphore, #tpu.memory_space<semaphore_mem>>) src(%dma_wait3A_270 : memref<256x128xf32, #tpu.memory_space<hbm>>) dst(%dma_wait3A_264 : memref<256x128xf32, #tpu.memory_space<vmem_shared>>)
      %dma_wait3A_271 = arith.constant 1 : i32
      %dma_wait3A_272 = arith.constant 0 : i32
      %dma_wait3A_273 = arith.constant 0 : i32
      %dma_wait3A_274 = arith.constant 0 : i32
      %dma_wait3A_275 = tpu.memref_slice %arg3[%dma_wait3A_272, %dma_wait3A_273, %dma_wait3A_274] : memref<100x4096x128xf32, #tpu.memory_space<hbm>> -> memref<1x4096x128xf32, #tpu.memory_space<hbm>>
      %dma_wait3A_276 = tpu.memref_squeeze %dma_wait3A_275 : memref<1x4096x128xf32, #tpu.memory_space<hbm>> -> memref<4096x128xf32, #tpu.memory_space<hbm>>
      %dma_wait3A_277 = arith.constant 0 : i32
      %dma_wait3A_278 = tpu.memref_slice %dma_wait3A_276[%mul3A_11, %dma_wait3A_277] : memref<4096x128xf32, #tpu.memory_space<hbm>> -> memref<256x128xf32, #tpu.memory_space<hbm>>
      %dma_wait3A_279 = arith.constant 0 : i32
      %dma_wait3A_280 = arith.constant 0 : i32
      %dma_wait3A_281 = tpu.memref_slice %arg4[%arg1, %dma_wait3A_271, %dma_wait3A_279, %dma_wait3A_280] : memref<16x3x256x128xf32, #tpu.memory_space<vmem_shared>> -> memref<1x1x256x128xf32, #tpu.memory_space<vmem_shared>>
      %dma_wait3A_282 = tpu.memref_squeeze %dma_wait3A_281 : memref<1x1x256x128xf32, #tpu.memory_space<vmem_shared>> -> memref<256x128xf32, #tpu.memory_space<vmem_shared>>
      tpu.wait_dma2 semaphore(%arg9 : memref<!tpu.dma_semaphore, #tpu.memory_space<semaphore_mem>>) src(%dma_wait3A_282 : memref<256x128xf32, #tpu.memory_space<vmem_shared>>) dst(%dma_wait3A_278 : memref<256x128xf32, #tpu.memory_space<hbm>>)
      %add3A_283 = arith.constant 2 : i32
      %add3A_284 = arith.addi %mul3A_154, %add3A_283 : i32
      %mul3A_285 = arith.constant 2 : i32
      %mul3A_286 = arith.muli %mul3A_285, %add3A_284 : i32
      %add3A_287 = arith.addi %select_n3A_32, %mul3A_286 : i32
      %dma_start3A_288 = arith.constant 2 : i32
      %dma_start3A_289 = arith.constant 0 : i32
      %dma_start3A_290 = arith.constant 0 : i32
      %dma_start3A_291 = tpu.memref_slice %arg3[%add3A_287, %dma_start3A_289, %dma_start3A_290] : memref<100x4096x128xf32, #tpu.memory_space<hbm>> -> memref<1x4096x128xf32, #tpu.memory_space<hbm>>
      %dma_start3A_292 = tpu.memref_squeeze %dma_start3A_291 : memref<1x4096x128xf32, #tpu.memory_space<hbm>> -> memref<4096x128xf32, #tpu.memory_space<hbm>>
      %dma_start3A_293 = arith.constant 0 : i32
      %dma_start3A_294 = tpu.memref_slice %dma_start3A_292[%mul3A_11, %dma_start3A_293] : memref<4096x128xf32, #tpu.memory_space<hbm>> -> memref<256x128xf32, #tpu.memory_space<hbm>>
      %dma_start3A_295 = arith.constant 0 : i32
      %dma_start3A_296 = arith.constant 0 : i32
      %dma_start3A_297 = tpu.memref_slice %arg4[%arg1, %dma_start3A_288, %dma_start3A_295, %dma_start3A_296] : memref<16x3x256x128xf32, #tpu.memory_space<vmem_shared>> -> memref<1x1x256x128xf32, #tpu.memory_space<vmem_shared>>
      %dma_start3A_298 = tpu.memref_squeeze %dma_start3A_297 : memref<1x1x256x128xf32, #tpu.memory_space<vmem_shared>> -> memref<256x128xf32, #tpu.memory_space<vmem_shared>>
      tpu.enqueue_dma source(%dma_start3A_298 : memref<256x128xf32, #tpu.memory_space<vmem_shared>>) target(%dma_start3A_294 : memref<256x128xf32, #tpu.memory_space<hbm>>) target_semaphore(%arg10 : memref<!tpu.dma_semaphore, #tpu.memory_space<semaphore_mem>>)
      %add3A_299 = arith.constant 4 : i32
      %add3A_300 = arith.addi %mul3A_154, %add3A_299 : i32
      %mul3A_301 = arith.constant 2 : i32
      %mul3A_302 = arith.muli %mul3A_301, %add3A_300 : i32
      %add3A_303 = arith.addi %select_n3A_32, %mul3A_302 : i32
      %sub3A_304 = arith.constant 99 : i32
      %sub3A_305 = arith.subi %sub3A_304, %add3A_303 : i32
      %dma_start3A_306 = arith.constant 1 : i32
      %dma_start3A_307 = arith.constant 0 : i32
      %dma_start3A_308 = arith.constant 0 : i32
      %dma_start3A_309 = tpu.memref_slice %arg4[%arg1, %dma_start3A_306, %dma_start3A_307, %dma_start3A_308] : memref<16x3x256x128xf32, #tpu.memory_space<vmem_shared>> -> memref<1x1x256x128xf32, #tpu.memory_space<vmem_shared>>
      %dma_start3A_310 = tpu.memref_squeeze %dma_start3A_309 : memref<1x1x256x128xf32, #tpu.memory_space<vmem_shared>> -> memref<256x128xf32, #tpu.memory_space<vmem_shared>>
      %dma_start3A_311 = arith.constant 0 : i32
      %dma_start3A_312 = arith.constant 0 : i32
      %dma_start3A_313 = tpu.memref_slice %arg2[%sub3A_305, %dma_start3A_311, %dma_start3A_312] : memref<100x4096x128xf32, #tpu.memory_space<hbm>> -> memref<1x4096x128xf32, #tpu.memory_space<hbm>>
      %dma_start3A_314 = tpu.memref_squeeze %dma_start3A_313 : memref<1x4096x128xf32, #tpu.memory_space<hbm>> -> memref<4096x128xf32, #tpu.memory_space<hbm>>
      %dma_start3A_315 = arith.constant 0 : i32
      %dma_start3A_316 = tpu.memref_slice %dma_start3A_314[%mul3A_11, %dma_start3A_315] : memref<4096x128xf32, #tpu.memory_space<hbm>> -> memref<256x128xf32, #tpu.memory_space<hbm>>
      tpu.enqueue_dma source(%dma_start3A_316 : memref<256x128xf32, #tpu.memory_space<hbm>>) target(%dma_start3A_310 : memref<256x128xf32, #tpu.memory_space<vmem_shared>>) target_semaphore(%arg6 : memref<!tpu.dma_semaphore, #tpu.memory_space<semaphore_mem>>)
    }
    %scan3A_66 = arith.constant 16 : i32
    %dma_wait3A = arith.constant 0 : i32
    %dma_wait3A_67 = arith.constant 0 : i32
    %dma_wait3A_68 = arith.constant 0 : i32
    %dma_wait3A_69 = arith.constant 0 : i32
    %dma_wait3A_70 = tpu.memref_slice %arg4[%arg1, %dma_wait3A_67, %dma_wait3A_68, %dma_wait3A_69] : memref<16x3x256x128xf32, #tpu.memory_space<vmem_shared>> -> memref<1x1x256x128xf32, #tpu.memory_space<vmem_shared>>
    %dma_wait3A_71 = tpu.memref_squeeze %dma_wait3A_70 : memref<1x1x256x128xf32, #tpu.memory_space<vmem_shared>> -> memref<256x128xf32, #tpu.memory_space<vmem_shared>>
    %dma_wait3A_72 = arith.constant 0 : i32
    %dma_wait3A_73 = arith.constant 0 : i32
    %dma_wait3A_74 = tpu.memref_slice %arg2[%dma_wait3A, %dma_wait3A_72, %dma_wait3A_73] : memref<100x4096x128xf32, #tpu.memory_space<hbm>> -> memref<1x4096x128xf32, #tpu.memory_space<hbm>>
    %dma_wait3A_75 = tpu.memref_squeeze %dma_wait3A_74 : memref<1x4096x128xf32, #tpu.memory_space<hbm>> -> memref<4096x128xf32, #tpu.memory_space<hbm>>
    %dma_wait3A_76 = arith.constant 0 : i32
    %dma_wait3A_77 = tpu.memref_slice %dma_wait3A_75[%mul3A_11, %dma_wait3A_76] : memref<4096x128xf32, #tpu.memory_space<hbm>> -> memref<256x128xf32, #tpu.memory_space<hbm>>
    tpu.wait_dma2 semaphore(%arg5 : memref<!tpu.dma_semaphore, #tpu.memory_space<semaphore_mem>>) src(%dma_wait3A_77 : memref<256x128xf32, #tpu.memory_space<hbm>>) dst(%dma_wait3A_71 : memref<256x128xf32, #tpu.memory_space<vmem_shared>>)
    %dma_wait3A_78 = arith.constant 2 : i32
    %dma_wait3A_79 = arith.constant 0 : i32
    %dma_wait3A_80 = arith.constant 0 : i32
    %dma_wait3A_81 = arith.constant 0 : i32
    %dma_wait3A_82 = tpu.memref_slice %arg3[%dma_wait3A_79, %dma_wait3A_80, %dma_wait3A_81] : memref<100x4096x128xf32, #tpu.memory_space<hbm>> -> memref<1x4096x128xf32, #tpu.memory_space<hbm>>
    %dma_wait3A_83 = tpu.memref_squeeze %dma_wait3A_82 : memref<1x4096x128xf32, #tpu.memory_space<hbm>> -> memref<4096x128xf32, #tpu.memory_space<hbm>>
    %dma_wait3A_84 = arith.constant 0 : i32
    %dma_wait3A_85 = tpu.memref_slice %dma_wait3A_83[%mul3A_11, %dma_wait3A_84] : memref<4096x128xf32, #tpu.memory_space<hbm>> -> memref<256x128xf32, #tpu.memory_space<hbm>>
    %dma_wait3A_86 = arith.constant 0 : i32
    %dma_wait3A_87 = arith.constant 0 : i32
    %dma_wait3A_88 = tpu.memref_slice %arg4[%arg1, %dma_wait3A_78, %dma_wait3A_86, %dma_wait3A_87] : memref<16x3x256x128xf32, #tpu.memory_space<vmem_shared>> -> memref<1x1x256x128xf32, #tpu.memory_space<vmem_shared>>
    %dma_wait3A_89 = tpu.memref_squeeze %dma_wait3A_88 : memref<1x1x256x128xf32, #tpu.memory_space<vmem_shared>> -> memref<256x128xf32, #tpu.memory_space<vmem_shared>>
    tpu.wait_dma2 semaphore(%arg10 : memref<!tpu.dma_semaphore, #tpu.memory_space<semaphore_mem>>) src(%dma_wait3A_89 : memref<256x128xf32, #tpu.memory_space<vmem_shared>>) dst(%dma_wait3A_85 : memref<256x128xf32, #tpu.memory_space<hbm>>)
    %add3A_90 = arith.constant 96 : i32
    %add3A_91 = arith.addi %select_n3A_32, %add3A_90 : i32
    %dma_start3A_92 = arith.constant 0 : i32
    %dma_start3A_93 = arith.constant 0 : i32
    %dma_start3A_94 = arith.constant 0 : i32
    %dma_start3A_95 = tpu.memref_slice %arg3[%add3A_91, %dma_start3A_93, %dma_start3A_94] : memref<100x4096x128xf32, #tpu.memory_space<hbm>> -> memref<1x4096x128xf32, #tpu.memory_space<hbm>>
    %dma_start3A_96 = tpu.memref_squeeze %dma_start3A_95 : memref<1x4096x128xf32, #tpu.memory_space<hbm>> -> memref<4096x128xf32, #tpu.memory_space<hbm>>
    %dma_start3A_97 = arith.constant 0 : i32
    %dma_start3A_98 = tpu.memref_slice %dma_start3A_96[%mul3A_11, %dma_start3A_97] : memref<4096x128xf32, #tpu.memory_space<hbm>> -> memref<256x128xf32, #tpu.memory_space<hbm>>
    %dma_start3A_99 = arith.constant 0 : i32
    %dma_start3A_100 = arith.constant 0 : i32
    %dma_start3A_101 = tpu.memref_slice %arg4[%arg1, %dma_start3A_92, %dma_start3A_99, %dma_start3A_100] : memref<16x3x256x128xf32, #tpu.memory_space<vmem_shared>> -> memref<1x1x256x128xf32, #tpu.memory_space<vmem_shared>>
    %dma_start3A_102 = tpu.memref_squeeze %dma_start3A_101 : memref<1x1x256x128xf32, #tpu.memory_space<vmem_shared>> -> memref<256x128xf32, #tpu.memory_space<vmem_shared>>
    tpu.enqueue_dma source(%dma_start3A_102 : memref<256x128xf32, #tpu.memory_space<vmem_shared>>) target(%dma_start3A_98 : memref<256x128xf32, #tpu.memory_space<hbm>>) target_semaphore(%arg8 : memref<!tpu.dma_semaphore, #tpu.memory_space<semaphore_mem>>)
    %dma_wait3A_103 = arith.constant 0 : i32
    %dma_wait3A_104 = arith.constant 1 : i32
    %dma_wait3A_105 = arith.constant 0 : i32
    %dma_wait3A_106 = arith.constant 0 : i32
    %dma_wait3A_107 = tpu.memref_slice %arg4[%arg1, %dma_wait3A_104, %dma_wait3A_105, %dma_wait3A_106] : memref<16x3x256x128xf32, #tpu.memory_space<vmem_shared>> -> memref<1x1x256x128xf32, #tpu.memory_space<vmem_shared>>
    %dma_wait3A_108 = tpu.memref_squeeze %dma_wait3A_107 : memref<1x1x256x128xf32, #tpu.memory_space<vmem_shared>> -> memref<256x128xf32, #tpu.memory_space<vmem_shared>>
    %dma_wait3A_109 = arith.constant 0 : i32
    %dma_wait3A_110 = arith.constant 0 : i32
    %dma_wait3A_111 = tpu.memref_slice %arg2[%dma_wait3A_103, %dma_wait3A_109, %dma_wait3A_110] : memref<100x4096x128xf32, #tpu.memory_space<hbm>> -> memref<1x4096x128xf32, #tpu.memory_space<hbm>>
    %dma_wait3A_112 = tpu.memref_squeeze %dma_wait3A_111 : memref<1x4096x128xf32, #tpu.memory_space<hbm>> -> memref<4096x128xf32, #tpu.memory_space<hbm>>
    %dma_wait3A_113 = arith.constant 0 : i32
    %dma_wait3A_114 = tpu.memref_slice %dma_wait3A_112[%mul3A_11, %dma_wait3A_113] : memref<4096x128xf32, #tpu.memory_space<hbm>> -> memref<256x128xf32, #tpu.memory_space<hbm>>
    tpu.wait_dma2 semaphore(%arg6 : memref<!tpu.dma_semaphore, #tpu.memory_space<semaphore_mem>>) src(%dma_wait3A_114 : memref<256x128xf32, #tpu.memory_space<hbm>>) dst(%dma_wait3A_108 : memref<256x128xf32, #tpu.memory_space<vmem_shared>>)
    %dma_wait3A_115 = arith.constant 0 : i32
    %dma_wait3A_116 = arith.constant 0 : i32
    %dma_wait3A_117 = arith.constant 0 : i32
    %dma_wait3A_118 = arith.constant 0 : i32
    %dma_wait3A_119 = tpu.memref_slice %arg3[%dma_wait3A_116, %dma_wait3A_117, %dma_wait3A_118] : memref<100x4096x128xf32, #tpu.memory_space<hbm>> -> memref<1x4096x128xf32, #tpu.memory_space<hbm>>
    %dma_wait3A_120 = tpu.memref_squeeze %dma_wait3A_119 : memref<1x4096x128xf32, #tpu.memory_space<hbm>> -> memref<4096x128xf32, #tpu.memory_space<hbm>>
    %dma_wait3A_121 = arith.constant 0 : i32
    %dma_wait3A_122 = tpu.memref_slice %dma_wait3A_120[%mul3A_11, %dma_wait3A_121] : memref<4096x128xf32, #tpu.memory_space<hbm>> -> memref<256x128xf32, #tpu.memory_space<hbm>>
    %dma_wait3A_123 = arith.constant 0 : i32
    %dma_wait3A_124 = arith.constant 0 : i32
    %dma_wait3A_125 = tpu.memref_slice %arg4[%arg1, %dma_wait3A_115, %dma_wait3A_123, %dma_wait3A_124] : memref<16x3x256x128xf32, #tpu.memory_space<vmem_shared>> -> memref<1x1x256x128xf32, #tpu.memory_space<vmem_shared>>
    %dma_wait3A_126 = tpu.memref_squeeze %dma_wait3A_125 : memref<1x1x256x128xf32, #tpu.memory_space<vmem_shared>> -> memref<256x128xf32, #tpu.memory_space<vmem_shared>>
    tpu.wait_dma2 semaphore(%arg8 : memref<!tpu.dma_semaphore, #tpu.memory_space<semaphore_mem>>) src(%dma_wait3A_126 : memref<256x128xf32, #tpu.memory_space<vmem_shared>>) dst(%dma_wait3A_122 : memref<256x128xf32, #tpu.memory_space<hbm>>)
    %add3A_127 = arith.constant 98 : i32
    %add3A_128 = arith.addi %select_n3A_32, %add3A_127 : i32
    %dma_start3A_129 = arith.constant 1 : i32
    %dma_start3A_130 = arith.constant 0 : i32
    %dma_start3A_131 = arith.constant 0 : i32
    %dma_start3A_132 = tpu.memref_slice %arg3[%add3A_128, %dma_start3A_130, %dma_start3A_131] : memref<100x4096x128xf32, #tpu.memory_space<hbm>> -> memref<1x4096x128xf32, #tpu.memory_space<hbm>>
    %dma_start3A_133 = tpu.memref_squeeze %dma_start3A_132 : memref<1x4096x128xf32, #tpu.memory_space<hbm>> -> memref<4096x128xf32, #tpu.memory_space<hbm>>
    %dma_start3A_134 = arith.constant 0 : i32
    %dma_start3A_135 = tpu.memref_slice %dma_start3A_133[%mul3A_11, %dma_start3A_134] : memref<4096x128xf32, #tpu.memory_space<hbm>> -> memref<256x128xf32, #tpu.memory_space<hbm>>
    %dma_start3A_136 = arith.constant 0 : i32
    %dma_start3A_137 = arith.constant 0 : i32
    %dma_start3A_138 = tpu.memref_slice %arg4[%arg1, %dma_start3A_129, %dma_start3A_136, %dma_start3A_137] : memref<16x3x256x128xf32, #tpu.memory_space<vmem_shared>> -> memref<1x1x256x128xf32, #tpu.memory_space<vmem_shared>>
    %dma_start3A_139 = tpu.memref_squeeze %dma_start3A_138 : memref<1x1x256x128xf32, #tpu.memory_space<vmem_shared>> -> memref<256x128xf32, #tpu.memory_space<vmem_shared>>
    tpu.enqueue_dma source(%dma_start3A_139 : memref<256x128xf32, #tpu.memory_space<vmem_shared>>) target(%dma_start3A_135 : memref<256x128xf32, #tpu.memory_space<hbm>>) target_semaphore(%arg9 : memref<!tpu.dma_semaphore, #tpu.memory_space<semaphore_mem>>)
    %dma_wait3A_140 = arith.constant 1 : i32
    %dma_wait3A_141 = arith.constant 0 : i32
    %dma_wait3A_142 = arith.constant 0 : i32
    %dma_wait3A_143 = arith.constant 0 : i32
    %dma_wait3A_144 = tpu.memref_slice %arg3[%dma_wait3A_141, %dma_wait3A_142, %dma_wait3A_143] : memref<100x4096x128xf32, #tpu.memory_space<hbm>> -> memref<1x4096x128xf32, #tpu.memory_space<hbm>>
    %dma_wait3A_145 = tpu.memref_squeeze %dma_wait3A_144 : memref<1x4096x128xf32, #tpu.memory_space<hbm>> -> memref<4096x128xf32, #tpu.memory_space<hbm>>
    %dma_wait3A_146 = arith.constant 0 : i32
    %dma_wait3A_147 = tpu.memref_slice %dma_wait3A_145[%mul3A_11, %dma_wait3A_146] : memref<4096x128xf32, #tpu.memory_space<hbm>> -> memref<256x128xf32, #tpu.memory_space<hbm>>
    %dma_wait3A_148 = arith.constant 0 : i32
    %dma_wait3A_149 = arith.constant 0 : i32
    %dma_wait3A_150 = tpu.memref_slice %arg4[%arg1, %dma_wait3A_140, %dma_wait3A_148, %dma_wait3A_149] : memref<16x3x256x128xf32, #tpu.memory_space<vmem_shared>> -> memref<1x1x256x128xf32, #tpu.memory_space<vmem_shared>>
    %dma_wait3A_151 = tpu.memref_squeeze %dma_wait3A_150 : memref<1x1x256x128xf32, #tpu.memory_space<vmem_shared>> -> memref<256x128xf32, #tpu.memory_space<vmem_shared>>
    tpu.wait_dma2 semaphore(%arg9 : memref<!tpu.dma_semaphore, #tpu.memory_space<semaphore_mem>>) src(%dma_wait3A_151 : memref<256x128xf32, #tpu.memory_space<vmem_shared>>) dst(%dma_wait3A_147 : memref<256x128xf32, #tpu.memory_space<hbm>>)
    return
  }
}

</mosaic_0001>

<sc_bundles>
// kernel: kernel.3.cloned.1.call-start
scs
__scs_entry_jumppad:
0x0: {  	(pc) =	sbr.rel $0x88, $3  }
0x1: {  	(tag) =	ssettag $0x0;
	lr =	simm.s32 $0x1  }
0x2: {  	[smem:$0x3FA0] =	sst lr;
	_ =	strace $0xD0000000  }
0x3: {  	_ = 	snop  }
0x4: {  	_ = 	snop  }
0x5: {  	_ = 	snop  }
0x6: {  	_ = 	snop  }
0x7: {  	_ = 	snop  }
__scs_overlays_trampoline_lowered:
0x8: {  	[smem:$0x3FAF] =	sst s0  }
0x9: {  	[smem:$0x3FB0] =	sst s1  }
0xa: {  	[smem:$0x3FB1] =	sst s2  }
0xb: {  	[smem:$0x3FB2] =	sst s3  }
0xc: {  	[smem:$0x3FB3] =	sst s4  }
0xd: {  	[smem:$0x3FB4] =	sst s5  }
0xe: {  	[smem:$0x3FB5] =	sst s6  }
0xf: {  	[smem:$0x3FB6] =	sst s7  }
0x10: {  	[smem:$0x3FB7] =	sst s8  }
0x11: {  	[smem:$0x3FB8] =	sst s9;
	s0 =	simm.s32 @!p0 $0x0  }
0x12: {  	s1 =	sld [smem:$0x3F9E];
	s0 =	simm.s32 @p0 $0x1  }
0x13: {  	[smem:$0x3FB9] =	sst s0;
	s0 =	simm.s32 @!p1 $0x0  }
0x14: {  	s2 =	sld [smem:$0x3F9D];
	s0 =	simm.s32 @p1 $0x1  }
0x15: {  	[smem:$0x3FBA] =	sst s0;
	s0 =	simm.s32 @!p2 $0x0  }
0x16: {  	s3 =	sld [smem:$0x3FDB];
	s0 =	simm.s32 @p2 $0x1  }
0x17: {  	s4 =	simm.s32 $0x1BF5;
	[smem:$0x3FBC] =	sst s0  }
0x18: {  	s0 =	sld [smem:$0x3F9F];
	_ =	swait.ge [sflag:s4], $0x0  }
0x19: {  	s7 =	sld [smem:$0x3FA0]  }
0x1a: {  	s8 =	sadd.s32 $0xFFFFE003, lr  }
0x1b: {  	s9 =	sadd.s32 $0xFFFFFEF7, lr;
	s5 =	simm.s32 $0xFFFFFFFF;
	p2 =	slt.u32 s8, $0xFFFFF086  }
0x1c: {  	p1 =	slt.u32 s9, $0xF7A;
	s5 =	simm.s32 @!p2 $0x0  }
0x1d: {  	s5 =	simm.s32 @p1 $0x1;
	p0 =	seq.s32 s7, s2  }
0x1e: {  	s7 =	smul.u32 @!p0 $0xF7A, s2;
	p2 =	seq.s32 @!p0 s5, $0x0  }
0x1f: {  	s9 =	smul.u32 $0xF7A, s1;
	s8 =	simm.s32 @!p0 $0x1BF5;
	p2 =	por !p2, p0  }
0x20: {  	[sflag:s8] =	ssyncset.s32 @!p0 $0xFFFFF086;
	s6 =	sadd.s32 @!p0 s3, s7;
	s7 =	simm.s32 @!p0 $0x108  }
0x21: {  	s3 =	sadd.s32 s3, s9;
	s6 =	sadd.s32 @!p0 $0x88, s6;
	s7 =	simm.s32 @p2 $0x1082  }
0x22: {  	[simem:s7], [sflag:s8] =	dma.local @!p0 [hbm:s6], $0xF7A  }
0x23: {  	s9 =	sor.u32 $0xD0000000, s2;
	s6 =	simm.s32 $0x108;
	_ =	swait.ge @!p0 [sflag:s8], $0x0  }
0x24: {  	s3 =	sadd.s32 $0x88, s3;
	s6 =	simm.s32 @!p1 $0x1082;
	[sflag:s4] =	ssyncset.s32 $0xFFFFF086  }
0x25: {  	[simem:s6], [sflag:s4] =	dma.local [hbm:s3], $0xF7A  }
0x26: {  	[smem:$0x3FA0] =	sst s1;
	(tag) =	ssettag s2;
	_ =	strace s9  }
0x27: {  	s1 =	sld [smem:$0x3FB0]  }
0x28: {  	s2 =	sld [smem:$0x3FB1]  }
0x29: {  	s4 =	sld [smem:$0x3FB3]  }
0x2a: {  	p0 =	seq.s32 s5, $0x0;
	s5 =	sld [smem:$0x3FB4]  }
0x2b: {  	s6 =	sld [smem:$0x3FB5]  }
0x2c: {  	s7 =	sld [smem:$0x3FB6]  }
0x2d: {  	s3 =	simm.s32 $0x108;
	s8 =	sld [smem:$0x3FB7]  }
0x2e: {  	s3 =	simm.s32 @!p0 $0x1082;
	s9 =	sld [smem:$0x3FB8]  }
0x2f: {  	lr =	sadd.s32 s0, s3;
	s0 =	sld [smem:$0x3FAF]  }
0x30: {  	s3 =	sld [smem:$0x3FB2]  }
0x31: {  	[smem:$0x3FBB] =	sst s10  }
0x32: {  	s10 =	sld [smem:$0x3FB9];
	_ =	sdelay $0x3  }
0x33: {  	p0 =	seq.s32 s10, $0x1;
	s10 =	sld [smem:$0x3FBB];
	_ =	sdelay $0x3  }
0x34: {  	[smem:$0x3FBB] =	sst s10  }
0x35: {  	s10 =	sld [smem:$0x3FBA];
	_ =	sdelay $0x3  }
0x36: {  	p1 =	seq.s32 s10, $0x1;
	s10 =	sld [smem:$0x3FBB];
	_ =	sdelay $0x3  }
0x37: {  	[smem:$0x3FBB] =	sst s10  }
0x38: {  	s10 =	sld [smem:$0x3FBC]  }
0x39: {  	_ = 	snop;
	(pc) =	sbr.ind lr, $3  }
0x3a: {  	_ = 	snop  }
0x3b: {  	_ = 	snop  }
0x3c: {  	p2 =	seq.s32 s10, $0x1;
	s10 =	sld [smem:$0x3FBB]  }
0x3d: {  	_ =	shalt  }
0x3e: {  	_ =	shalt  }
0x3f: {  	_ =	shalt  }
0x40: {  	_ =	shalt  }
0x41: {  	_ =	shalt  }
0x42: {  	_ =	shalt  }
0x43: {  	_ =	shalt  }
0x44: {  	_ =	shalt  }
0x45: {  	_ =	shalt  }
0x46: {  	_ =	shalt  }
0x47: {  	_ =	shalt  }
0x48: {  	_ =	shalt  }
0x49: {  	_ =	shalt  }
0x4a: {  	_ =	shalt  }
0x4b: {  	_ =	shalt  }
0x4c: {  	_ =	shalt  }
0x4d: {  	_ =	shalt  }
0x4e: {  	_ =	shalt  }
0x4f: {  	_ =	shalt  }
0x50: {  	_ =	shalt  }
0x51: {  	_ =	shalt  }
0x52: {  	_ =	shalt  }
0x53: {  	_ =	shalt  }
0x54: {  	_ =	shalt  }
0x55: {  	_ =	shalt  }
0x56: {  	_ =	shalt  }
0x57: {  	_ =	shalt  }
0x58: {  	_ =	shalt  }
0x59: {  	_ =	shalt  }
0x5a: {  	_ =	shalt  }
0x5b: {  	_ =	shalt  }
0x5c: {  	_ =	shalt  }
0x5d: {  	_ =	shalt  }
0x5e: {  	_ =	shalt  }
0x5f: {  	_ =	shalt  }
0x60: {  	_ =	shalt  }
0x61: {  	_ =	shalt  }
0x62: {  	_ =	shalt  }
0x63: {  	_ =	shalt  }
0x64: {  	_ =	shalt  }
0x65: {  	_ =	shalt  }
0x66: {  	_ =	shalt  }
0x67: {  	_ =	shalt  }
0x68: {  	_ =	shalt  }
0x69: {  	_ =	shalt  }
0x6a: {  	_ =	shalt  }
0x6b: {  	_ =	shalt  }
0x6c: {  	_ =	shalt  }
0x6d: {  	_ =	shalt  }
0x6e: {  	_ =	shalt  }
0x6f: {  	_ =	shalt  }
0x70: {  	_ =	shalt  }
0x71: {  	_ =	shalt  }
0x72: {  	_ =	shalt  }
0x73: {  	_ =	shalt  }
0x74: {  	_ =	shalt  }
0x75: {  	_ =	shalt  }
0x76: {  	_ =	shalt  }
0x77: {  	_ =	shalt  }
0x78: {  	_ =	shalt  }
0x79: {  	_ =	shalt  }
0x7a: {  	_ =	shalt  }
0x7b: {  	_ =	shalt  }
0x7c: {  	_ =	shalt  }
0x7d: {  	_ =	shalt  }
0x7e: {  	_ =	shalt  }
0x7f: {  	_ =	shalt  }
0x80: {  	_ =	shalt  }
0x81: {  	_ =	shalt  }
0x82: {  	_ =	shalt  }
0x83: {  	_ =	shalt  }
0x84: {  	_ =	shalt  }
0x85: {  	_ =	shalt  }
0x86: {  	_ =	shalt  }
0x87: {  	_ =	shalt  }
.Lfunc_end0:
.L_simem_size_0:
called_computation_lowered:
.L_overlay_start_0:
0x88: {  	s2 =	sld [smem:$0x3FD9]  }
0x89: {  	s3 =	sld [smem:$0x3FFE];
	_ =	sdelay $0x1  }
0x8a: {  	s1 =	srdreg.scid  }
0x8b: {  	s0 =	sand.u32 $0x1, s1  }
0x8c: {  	s18 =	sshll.u32 s0, $0xA;
	s2 =	sadd.s32 s3, s2  }
0x8d: {  	s2 =	sadd.s32 s2, s18  }
0x8e: {  	[smem:$0x3FC7] =	sst s2  }
0x8f: {  	_ = 	snop  }
0x90: {  	s2 =	sld [smem:$0x3FC9]  }
0x91: {  	s19 =	sld [smem:$0x3FD0];
	(tm) =	ssettm $0x1  }
0x92: {  	s4 =	sld [smem:$0x3FFB];
	_ =	sdelay $0x3  }
0x93: {  	_ =	strace s4  }
0x94: {  	s4 =	sld [smem:$0x3FFC];
	_ =	sdelay $0x3  }
0x95: {  	_ =	strace s4  }
0x96: {  	s4 =	sld [smem:$0x3FFD];
	_ =	sdelay $0x3  }
0x97: {  	_ =	strace s4  }
0x98: {  	_ =	strace $0x8FFFFFFF  }
0x99: {  	s20 =	sld [smem:$0x3FDB];
	_ =	sdelay $0x1  }
0x9a: {  	s5 =	simm.s32 $_scs_section_size  }
0x9b: {  	s6 =	simm.s32 $_size__tile_overlayer_lowered;
	s7 =	simm.s32 $_tile_overlayer_lowered  }
0x9c: {  	s23 =	simm.s32 $0x1BFF;
	s22 =	sshll.u32 s7, $0x1;
	s4 =	sadd.s32 s5, s20  }
0x9d: {  	s8 =	simm.s32 $0x0;
	s21 =	sshll.u32 s6, $0x1;
	s6 =	sadd.s32 s22, s4  }
0x9e: {  	[timem:s8], [sflag:s23] =	dma.local [hbm:s6], s21  }
0x9f: {  	_ =	swait.ge [sflag:s23], s21  }
0xa0: {  	s5 =	ssub.s32 $0x0, s21;
	[sflag:s23] =	ssyncset.done $0x0  }
0xa1: {  	[sflag:s23] =	ssyncadd.s32 s5;
	_ =	sdelay $0x1  }
0xa2: {  	s24 =	simm.s32 $0x1B8B  }
0xa3: {  	_ =	swait.ge [sflag:s24], $0x1  }
0xa4: {  	[sflag:s24] =	ssyncset.done $0x0  }
0xa5: {  	s25 =	simm.s32 $0x1B8E;
	[sflag:s24] =	ssyncadd.s32 $0xFFFFFFFF  }
0xa6: {  	s26 =	simm.s32 $execute0_lowered;
	[smem:$0x3FD2] =	sst s25  }
0xa7: {  	s5 =	sshll.u32 s26, $0x1;
	_ =	strace $0x80000046;
	[dreg:$0x1] =	wrdreg $0xFFFFFFFF  }
0xa8: {  	s28 =	simm.s32 $_size_execute0_lowered;
	s4 =	sadd.s32 s4, s5;
	[dreg:$0x0] =	wrdreg $0x0  }
0xa9: {  	s5 =	sshll.u32 s28, $0x1;
	[dreg:$0x2] =	wrdreg s4  }
0xaa: {  	[dreg:$0x3] =	wrdreg s5  }
0xab: {  	[dreg:$0x4] =	wrdreg $0xC0  }
0xac: {  	_ =	task [dreg:s8], $0x5FFFF  }
0xad: {  	[dreg:$0x1] =	wrdreg $0xFFFFFFFF  }
0xae: {  	[dreg:$0x0] =	wrdreg $0x60  }
0xaf: {  	[dreg:$0x2] =	wrdreg s2  }
0xb0: {  	[dreg:$0x3] =	wrdreg s19  }
0xb1: {  	[dreg:$0x4] =	wrdreg $0x0  }
0xb2: {  	[dreg:$0x5] =	wrdreg $0x9  }
0xb3: {  	_ =	task.clear_ibuf [dreg:s8], $0x6FFFF;
	_ =	strace $0x90000046  }
0xb4: {  	s29 =	simm.s32 $0x9;
	_ =	strace $0x80000048  }
0xb5: {  	_ =	swait.ge [sflag:s29], $0x1  }
0xb6: {  	[sflag:s29] =	ssyncadd.s32 $0xFFFFFFFF  }
0xb7: {  	_ =	strace $0x90000048  }
0xb8: {  	_ =	sfence  }
0xb9: {  	s30 =	sld [smem:$0x0];
	_ =	sdelay $0x2  }
0xba: {  	s31 =	sshll.u32 s1, $0xD;
	s1 =	sshrl.u32 s1, $0x2  }
0xbb: {  	s3 =	sand.u32 $0x4000, s31;
	s1 =	sadd.s32 s1, s30  }
0xbc: {  	s0 =	sor.u32 s3, s0;
	s1 =	sshll.u32 s1, $0x11  }
0xbd: {  	s0 =	sor.u32 s1, s0  }
0xbe: {  	s0 =	sadd.s32 $0x8F2B, s0  }
0xbf: {  	[sflag:s0] =	ssyncadd.remote.s32 $0x1  }
0xc0: {  	_ =	sfence.sel $0xFFFF  }
0xc1: {  	[dreg:$0x0] =	wrdreg $0xFFFFFFFF;
	(pc) =	sbr.abs _section_cstart, $3  }
0xc2: {  	[dreg:$0x1] =	wrdreg $0xFFFFFFFF  }
0xc3: {  	_ =	task.clear_ibuf [dreg:s8], $0x2FFFF;
	_ =	strace $0x9FFFFFFF  }
0xc4: {  	(tm) =	ssettm $0x7FFFFFFF  }
0xc5: {  	_ =	shalt  }
tec
execute0_lowered:
.L_overlay_start_1:
0x0: {  	(tag) =	ssettag $0x1  }
0x1: {  	s1 =	rddreg [dreg:$0x0]  }
0x2: {  	s8 =	rddreg [dreg:$0x1]  }
0x3: {  	s6 =	rddreg [dreg:$0x2]  }
0x4: {  	s2 =	srdreg.scid;
	s3 =	simm.s32 $0x0;
	s19 =	simm.s32 $0x4  }
0x5: {  	s21 =	simm.s32 $0x3;
	s22 =	simm.s32 $0x5;
	s23 =	simm.s32 $0x6  }
0x6: {  	s4 =	sand.u32 $0x1, s2;
	[smem:$0x7FF] =	sst s3;
	s2 =	stileid.u32  }
0x7: {  	s5 =	ssub.s32 $0x2, s4;
	_ =	strace $0x80000047;
	s9 =	sshrl.u32 s2, $0x3  }
0x8: {  	s10 =	sshll.u32 s2, $0x1;
	s11 =	smul.u32 $0x60000, s2;
	s7 =	sshrl.u32 s5, $0x1  }
0x9: {  	s12 =	sshll.u32 s9, $0x13;
	s26 =	sand.u32 $0xE, s10;
	s9 =	sshll.u32 s9, $0x10  }
0xa: {  	s13 =	ssub.s32 s5, s7;
	s28 =	sshrl.u32 s12, $0x3;
	s4 =	sor.u32 s4, s26  }
0xb: {  	s29 =	sshrl.u32 s11, $0x2;
	s5 =	sshll.u32 s2, $0x6;
	s8 =	sadd.s32 s9, s8  }
0xc: {  	s30 =	sxor.u32 $0x630000, s28;
	s4 =	sshll.u32 s4, $0xC;
	s14 =	sadd.s32 s29, s6  }
0xd: {  	s7 =	sor.u32 $0x1C01, s5;
	s10 =	sxor.u32 $0x610000, s28;
	s24 =	sadd.s32 $0x600000, s8  }
0xe: {  	s25 =	sadd.s32 $0x620000, s8;
	s9 =	smax.u32 s13, $0x1;
	s13 =	sor.u32 $0x1C02, s5  }
0xf: {  	s18 =	sor.u32 $0x1C03, s5;
	s20 =	sor.u32 $0x1C05, s5;
	s31 =	sadd.s32 s1, s30  }
0x10: {  	s15 =	sadd.s32 $0x8000, s14;
	s16 =	sadd.s32 s1, s10;
	s17 =	sadd.s32 $0x10000, s14  }
0x11: {  	s10 =	sxor.u32 $0x2D80000, s12;
	s11 =	sshrl.u32 s14, $0x3;
	[dreg:$0x4] =	wrdreg s18  }
0x12: {  	s18 =	simm.s32 $0x2;
	s24 =	sadd.s32 s4, s24;
	s25 =	sadd.s32 s4, s25  }
0x13: {  	s6 =	sadd.s32 s4, s31;
	s12 =	sadd.s32 s4, s16;
	s14 =	sshrl.u32 s15, $0x3  }
0x14: {  	s15 =	simm.s32 $0x1;
	s16 =	sor.u32 $0x1C04, s5;
	s17 =	sshrl.u32 s17, $0x3  }
.LBB2_1:
0x15: {  	[spmem:s11], [sflag:s7] =	dma.local [hbm:s6], $0x1000  }
0x16: {  	[spmem:s14], [sflag:s13] =	dma.local [hbm:s12], $0x1000  }
0x17: {  	_ =	swait.ge [sflag:s15], $0x1000  }
0x18: {  	p0 =	por $0x1, $0x1;
	[sflag:s15] =	ssyncset.done $0x0  }
0x19: {  	s28 =	sadd.s32 $0x0, s8;
	s26 =	simm.s32 @!p0 $0x6;
	[sflag:s15] =	ssyncadd.s32 $0xFFFFF000  }
0x1a: {  	s29 =	sadd.s32 s4, s28;
	s28 =	sadd.s32 $0x200000, s10;
	_ =	swait.ge @!p0 [sflag:s26], $0x1000  }
0x1b: {  	s0 =	sshrl.u32 s28, $0x3;
	[sflag:s26] =	ssyncset.done @!p0 $0x0  }
0x1c: {  	[sflag:s26] =	ssyncadd.s32 @!p0 $0xFFFFF000;
	s26 =	sadd.s32 s1, s0  }
0x1d: {  	[hbm:s29], [sflag:s16] =	dma.local [spmem:s11], $0x1000  }
0x1e: {  	s26 =	sadd.s32 s4, s26;
	s28 =	rddreg [dreg:$0x4]  }
0x1f: {  	[spmem:s17], [sflag:s28] =	dma.local [hbm:s26], $0x1000  }
0x20: {  	_ =	swait.ge [sflag:s18], $0x1000  }
0x21: {  	[sflag:s18] =	ssyncset.done $0x0  }
0x22: {  	s0 =	sadd.s32 $0x100000, s10;
	[sflag:s18] =	ssyncadd.s32 $0xFFFFF000  }
0x23: {  	s26 =	sshrl.u32 s0, $0x3;
	_ =	swait.ge [sflag:s19], $0x1000  }
0x24: {  	s26 =	sadd.s32 s1, s26;
	[sflag:s19] =	ssyncset.done $0x0  }
0x25: {  	s28 =	sadd.s32 $0x20000, s29;
	s26 =	sadd.s32 s4, s26;
	[sflag:s19] =	ssyncadd.s32 $0xFFFFF000  }
0x26: {  	[hbm:s28], [sflag:s20] =	dma.local [spmem:s14], $0x1000  }
0x27: {  	[spmem:s11], [sflag:s7] =	dma.local [hbm:s26], $0x1000  }
0x28: {  	_ =	swait.ge [sflag:s21], $0x1000  }
0x29: {  	[sflag:s21] =	ssyncset.done $0x0  }
0x2a: {  	s31 =	sshrl.u32 s10, $0x3;
	[sflag:s21] =	ssyncadd.s32 $0xFFFFF000  }
0x2b: {  	s30 =	sadd.s32 $0x40000, s29;
	s29 =	sadd.s32 s1, s31;
	_ =	swait.ge [sflag:s22], $0x1000  }
0x2c: {  	s31 =	sadd.s32 s4, s29;
	s29 =	sadd.s32 $0xFFD00000, s10;
	[sflag:s22] =	ssyncset.done $0x0  }
0x2d: {  	s28 =	sor.u32 $0x1C06, s5;
	s26 =	simm.s32 $0x60000;
	[sflag:s22] =	ssyncadd.s32 $0xFFFFF000  }
.LBB2_2:
0x2e: {  	[hbm:s30], [sflag:s28] =	dma.local [spmem:s17], $0x1000  }
0x2f: {  	[spmem:s14], [sflag:s13] =	dma.local [hbm:s31], $0x1000  }
0x30: {  	s30 =	smov.u32 s26;
	_ =	swait.ge [sflag:s15], $0x1000  }
0x31: {  	p1 =	seq.s32 s30, $0x0;
	[sflag:s15] =	ssyncset.done $0x0  }
0x32: {  	s31 =	simm.s32 @!p1 $0x6;
	[sflag:s15] =	ssyncadd.s32 $0xFFFFF000  }
0x33: {  	s0 =	sadd.s32 $0x200000, s29;
	_ =	swait.ge @!p1 [sflag:s31], $0x1000  }
0x34: {  	s30 =	sadd.s32 s30, s8;
	s0 =	sshrl.u32 s0, $0x3;
	[sflag:s31] =	ssyncset.done @!p1 $0x0  }
0x35: {  	s30 =	sadd.s32 s4, s30;
	s0 =	sadd.s32 s1, s0;
	[sflag:s31] =	ssyncadd.s32 @!p1 $0xFFFFF000  }
0x36: {  	[hbm:s30], [sflag:s16] =	dma.local [spmem:s11], $0x1000  }
0x37: {  	s0 =	sadd.s32 s4, s0;
	s31 =	rddreg [dreg:$0x4]  }
0x38: {  	[spmem:s17], [sflag:s31] =	dma.local [hbm:s0], $0x1000  }
0x39: {  	_ =	swait.ge [sflag:s18], $0x1000  }
0x3a: {  	[sflag:s18] =	ssyncset.done $0x0  }
0x3b: {  	s0 =	sadd.s32 $0x100000, s29;
	[sflag:s18] =	ssyncadd.s32 $0xFFFFF000  }
0x3c: {  	s0 =	sshrl.u32 s0, $0x3;
	_ =	swait.ge [sflag:s19], $0x1000  }
0x3d: {  	s26 =	sadd.s32 $0x60000, s26;
	s0 =	sadd.s32 s1, s0;
	[sflag:s19] =	ssyncset.done $0x0  }
0x3e: {  	s31 =	sadd.s32 $0x20000, s30;
	s0 =	sadd.s32 s4, s0;
	[sflag:s19] =	ssyncadd.s32 $0xFFFFF000  }
0x3f: {  	[hbm:s31], [sflag:s20] =	dma.local [spmem:s14], $0x1000  }
0x40: {  	[spmem:s11], [sflag:s7] =	dma.local [hbm:s0], $0x1000  }
0x41: {  	p0 =	sne.s32 s26, $0x600000;
	_ =	swait.ge [sflag:s21], $0x1000  }
.Ltmp0:
0x42: {  	[sflag:s21] =	ssyncset.done $0x0;
	(pc) =	sbr.rel @p0 .LBB2_2-.Ltmp0, $4  }
0x43: {  	[sflag:s21] =	ssyncadd.s32 $0xFFFFF000  }
0x44: {  	s0 =	sshrl.u32 s29, $0x3;
	_ =	swait.ge [sflag:s22], $0x1000  }
0x45: {  	s30 =	sadd.s32 $0x40000, s30;
	s0 =	sadd.s32 s1, s0;
	[sflag:s22] =	ssyncset.done $0x0  }
0x46: {  	s29 =	sadd.s32 $0xFFD00000, s29;
	s31 =	sadd.s32 s4, s0;
	[sflag:s22] =	ssyncadd.s32 $0xFFFFF000  }
0x47: {  	[hbm:s30], [sflag:s28] =	dma.local [spmem:s17], $0x1000  }
0x48: {  	[spmem:s14], [sflag:s13] =	dma.local [hbm:s31], $0x1000  }
0x49: {  	_ =	swait.ge [sflag:s15], $0x1000  }
0x4a: {  	[sflag:s15] =	ssyncset.done $0x0  }
0x4b: {  	[sflag:s15] =	ssyncadd.s32 $0xFFFFF000  }
0x4c: {  	_ =	swait.ge [sflag:s23], $0x1000  }
0x4d: {  	[sflag:s23] =	ssyncset.done $0x0  }
0x4e: {  	[sflag:s23] =	ssyncadd.s32 $0xFFFFF000  }
0x4f: {  	[hbm:s24], [sflag:s16] =	dma.local [spmem:s11], $0x1000  }
0x50: {  	_ =	swait.ge [sflag:s18], $0x1000  }
0x51: {  	[sflag:s18] =	ssyncset.done $0x0  }
0x52: {  	[sflag:s18] =	ssyncadd.s32 $0xFFFFF000  }
0x53: {  	s3 =	sadd.s32 $0x1, s3;
	_ =	swait.ge [sflag:s19], $0x1000  }
0x54: {  	p0 =	sne.s32 s3, s9;
	[sflag:s19] =	ssyncset.done $0x0  }
.Ltmp1:
0x55: {  	[sflag:s19] =	ssyncadd.s32 $0xFFFFF000;
	(pc) =	sbr.rel @p0 .LBB2_1-.Ltmp1, $4  }
0x56: {  	[hbm:s25], [sflag:s20] =	dma.local [spmem:s14], $0x1000  }
0x57: {  	_ =	swait.ge [sflag:s22], $0x1000  }
0x58: {  	[sflag:s22] =	ssyncset.done $0x0  }
0x59: {  	[sflag:s22] =	ssyncadd.s32 $0xFFFFF000  }
0x5a: {  	_ =	sfence.sel $0x180000  }
0x5b: {  	[bflag:$0x0] =	sbarrier.arrive $0xFFFF  }
0x5c: {  	_ =	strace $0x90000047  }
0x5d: {  	[bflag:$0x2] =	sbarrier.arrive $0xFFFF  }
0x5e: {  	p0 =	sne.s32 s2, $0x0;
	s0 =	rddreg [dreg:$0x3]  }
0x5f: {  	s0 =	sadd.s32 @!p0 $0x100000, s0  }
0x60: {  	[sflag:s0] =	ssyncadd.tile.s32 @!p0 $0x1;
	_ =	shalt  }
.Lfunc_end2:
_tile_overlayer_lowered:
.L_overlay_start_2:
0x61: {  	(tag) =	ssettag $0x2  }
0x62: {  	s0 =	rddreg [dreg:$0x0];
	s2 =	stileid.u32  }
0x63: {  	s1 =	rddreg [dreg:$0x1];
	p0 =	sne.s32 s2, $0x0  }
0x64: {  	s3 =	rddreg [dreg:$0x2];
	[bflag:$0x3] =	sbarrier.arrive $0xFFFF;
	s2 =	simm.s32 @!p0 $0x1C07  }
0x65: {  	[timem:s3], [sflag:s2] =	dma.local @!p0 [hbm:s0], s1  }
0x66: {  	s0 =	simm.s32 @!p0 $0x7  }
0x67: {  	_ =	swait.ge @!p0 [sflag:s0], s1  }
0x68: {  	s1 =	ssub.s32 @!p0 $0x0, s1;
	[sflag:s0] =	ssyncset.done @!p0 $0x0  }
0x69: {  	[sflag:s0] =	ssyncadd.s32 @!p0 s1  }
0x6a: {  	[bflag:$0x3] =	sbarrier.arrive $0xFFFF  }
0x6b: {  	_ =	shalt  }

</sc_bundles>
